<compile_context>
chip_gen: v7x
topology: tpu7x:2x2x1
jax: 0.10.2.dev20260603
libtpu: 0.0.44.dev20260713+nightly
codegen_flags: <defaults>
</compile_context>

<pallas_src>
import functools
import math

import jax
import jax.numpy as jnp
from jax import lax
from jax.experimental import pallas as pl
from jax.experimental.pallas import tpu as pltpu
from jax.experimental.pallas import tpu_sc as plsc

N = 10000
F = 128
E = 320000
NC, NS = 2, 16
NW = NC * NS
CH = 128
EPT = 10112
EPAD = EPT * NW
NPAD = 10240
RPT = NPAD // NS
RB = 1000
TWO_PI = 2.0 * math.pi
INV_SQRT2 = 1.0 / math.sqrt(2.0)


def _embed_body(x_ref, b_ref, wp_ref, bp_ref, out_ref):
    xp = TWO_PI * jnp.dot(x_ref[...], b_ref[...],
                          preferred_element_type=jnp.float32)
    dn = (((1,), (1,)), ((), ()))
    out_ref[...] = (
        lax.dot_general(jnp.cos(xp), wp_ref[...][:, :F], dn,
                        preferred_element_type=jnp.float32)
        + lax.dot_general(jnp.sin(xp), wp_ref[...][:, F:], dn,
                          preferred_element_type=jnp.float32)
        + bp_ref[...])


def _embed(x, B, W_proj, b_proj):
    return pl.pallas_call(
        _embed_body,
        grid=(N // RB,),
        in_specs=[
            pl.BlockSpec((RB, F), lambda i: (i, 0)),
            pl.BlockSpec((F, F), lambda i: (0, 0)),
            pl.BlockSpec((F, 2 * F), lambda i: (0, 0)),
            pl.BlockSpec((1, F), lambda i: (0, 0)),
        ],
        out_specs=pl.BlockSpec((RB, F), lambda i: (i, 0)),
        out_shape=jax.ShapeDtypeStruct((N, F), jnp.float32),
    )(x, B, W_proj, b_proj.reshape(1, F))


def _sc_body(epk_h, xe_h, z2_h, z1_h, sums_h, cnts_h,
             acc_sh, cnt_sh, eidx, rows, ones, sem):
    c = lax.axis_index("c")
    s = lax.axis_index("s")
    wid = c * NS + s
    for j in range(CH // 16):
        ones[pl.ds(j * 16, 16)] = jnp.ones((16,), jnp.float32)
    pltpu.sync_copy(z2_h, acc_sh.at[pl.ds(s * RPT, RPT)])
    pltpu.sync_copy(z1_h, cnt_sh.at[pl.ds(s * RPT, RPT)])
    plsc.subcore_barrier()
    base = wid * (EPT // CH)

    def chunk(k, carry):
        pltpu.sync_copy(epk_h.at[base + k], eidx)
        pltpu.async_copy(xe_h.at[eidx.at[0]], rows, sem).wait()
        pltpu.sync_copy(rows, acc_sh.at[eidx.at[1]], add=True)
        pltpu.sync_copy(ones, cnt_sh.at[eidx.at[1]], add=True)
        return carry

    lax.fori_loop(0, EPT // CH, chunk, 0)
    plsc.subcore_barrier()
    pltpu.sync_copy(acc_sh.at[pl.ds(s * RPT, RPT)],
                    sums_h.at[c, pl.ds(s * RPT, RPT)])
    pltpu.sync_copy(cnt_sh.at[pl.ds(s * RPT, RPT)],
                    cnts_h.at[c, pl.ds(s * RPT, RPT)])


def _aggregate(epk, x_embed):
    z2 = jnp.zeros((RPT, F), jnp.float32)
    z1 = jnp.zeros((RPT,), jnp.float32)
    run = pl.kernel(
        _sc_body,
        out_type=[
            jax.ShapeDtypeStruct((NC, NPAD, F), jnp.float32),
            jax.ShapeDtypeStruct((NC, NPAD), jnp.float32),
        ],
        mesh=plsc.VectorSubcoreMesh(core_axis_name="c", subcore_axis_name="s"),
        scratch_types=[
            pltpu.VMEM_SHARED((NPAD, F), jnp.float32),
            pltpu.VMEM_SHARED((NPAD,), jnp.float32),
            pltpu.VMEM((2, CH), jnp.int32),
            pltpu.VMEM((CH, F), jnp.float32),
            pltpu.VMEM((CH,), jnp.float32),
            pltpu.SemaphoreType.DMA,
        ],
    )
    return run(epk, x_embed, z2, z1)


def _fuse_body(xe_ref, p_ref, cnt_ref, wf_ref, bf_ref,
               fused_ref, s_ref, q_ref):
    i = pl.program_id(0)
    summed = p_ref[0] + p_ref[1]
    cnt = cnt_ref[0] + cnt_ref[1]
    aggs = jnp.where(cnt > 0.0, summed / jnp.maximum(cnt, 1.0), 0.0)
    dn = (((1,), (1,)), ((), ()))
    fused = (
        lax.dot_general(xe_ref[...], wf_ref[...][:, :F], dn,
                        preferred_element_type=jnp.float32)
        + lax.dot_general(aggs, wf_ref[...][:, F:], dn,
                          preferred_element_type=jnp.float32)
        + bf_ref[...])
    fused_ref[...] = fused

    @pl.when(i == 0)
    def _():
        s_ref[...] = jnp.zeros_like(s_ref)
        q_ref[...] = jnp.zeros_like(q_ref)

    s_ref[...] += jnp.sum(fused, axis=0, keepdims=True)
    q_ref[...] += jnp.sum(fused * fused, axis=0, keepdims=True)


def _fuse(x_embed, sums, cnts, W_fus, b_fus):
    return pl.pallas_call(
        _fuse_body,
        grid=(N // RB,),
        in_specs=[
            pl.BlockSpec((RB, F), lambda i: (i, 0)),
            pl.BlockSpec((NC, RB, F), lambda i: (0, i, 0)),
            pl.BlockSpec((NC, RB, 1), lambda i: (0, i, 0)),
            pl.BlockSpec((F, 2 * F), lambda i: (0, 0)),
            pl.BlockSpec((1, F), lambda i: (0, 0)),
        ],
        out_specs=[
            pl.BlockSpec((RB, F), lambda i: (i, 0)),
            pl.BlockSpec((1, F), lambda i: (0, 0)),
            pl.BlockSpec((1, F), lambda i: (0, 0)),
        ],
        out_shape=[
            jax.ShapeDtypeStruct((N, F), jnp.float32),
            jax.ShapeDtypeStruct((1, F), jnp.float32),
            jax.ShapeDtypeStruct((1, F), jnp.float32),
        ],
    )(x_embed, sums, cnts.reshape(NC, NPAD, 1), W_fus, b_fus.reshape(1, F))


def _bn_body(fused_ref, s_ref, q_ref, g_ref, bt_ref, out_ref):
    mean = s_ref[...] * (1.0 / N)
    var = q_ref[...] * (1.0 / N) - mean * mean
    inv = lax.rsqrt(var + 1e-5)
    xh = (fused_ref[...] - mean) * inv * g_ref[...] + bt_ref[...]
    out_ref[...] = 0.5 * xh * (1.0 + lax.erf(xh * INV_SQRT2))


def _bn_gelu(fused, ssum, sq, gamma, beta):
    return pl.pallas_call(
        _bn_body,
        grid=(N // RB,),
        in_specs=[
            pl.BlockSpec((RB, F), lambda i: (i, 0)),
            pl.BlockSpec((1, F), lambda i: (0, 0)),
            pl.BlockSpec((1, F), lambda i: (0, 0)),
            pl.BlockSpec((1, F), lambda i: (0, 0)),
            pl.BlockSpec((1, F), lambda i: (0, 0)),
        ],
        out_specs=pl.BlockSpec((RB, F), lambda i: (i, 0)),
        out_shape=jax.ShapeDtypeStruct((N, F), jnp.float32),
    )(fused, ssum, sq, gamma.reshape(1, F), beta.reshape(1, F))


def kernel(x, edge_index, B, W_proj, b_proj, W_fus, b_fus, gamma, beta):
    x_embed = _embed(x, B, W_proj, b_proj)
    pad = jnp.stack([jnp.zeros((EPAD - E,), jnp.int32),
                     jnp.full((EPAD - E,), N, jnp.int32)])
    epk = jnp.concatenate([edge_index, pad], axis=1).reshape(
        2, EPAD // CH, CH).transpose(1, 0, 2)
    sums, cnts = _aggregate(epk, x_embed)
    fused, ssum, sq = _fuse(x_embed, sums, cnts, W_fus, b_fus)
    return _bn_gelu(fused, ssum, sq, gamma, beta)

# --- scband reference (transcript-rebuilt; emitter-appended) ---
"""Pipeline reference for scband-ffmencoding-layer-75909251989907 (READ-ONLY COPY).

The authoritative reference and input builder live on the scoring server;
editing this copy changes nothing except your own understanding.
"""

import jax, jax.numpy as jnp
import numpy as np

N_NODES = 10000
N_EDGES = 320000
IN_FEATS = 128
OUT_FEATS = 128
MAPPING = 128


def setup_inputs(seed: int = 0) -> dict:
    key = jax.random.key(seed)
    ks = jax.random.split(key, 8)
    x = jax.random.normal(ks[0], (N_NODES, IN_FEATS), dtype=jnp.float32)
    edge_index = jax.random.randint(ks[1], (2, N_EDGES), 0, N_NODES, dtype=jnp.int32)
    # FFM random projection matrix B (sigma=1.0), frozen (requires_grad=False)
    B = jax.random.normal(ks[2], (IN_FEATS, MAPPING), dtype=jnp.float32) * 1.0
    # feature_projection: Linear(2*MAPPING -> OUT_FEATS)
    W_proj = jax.random.normal(ks[3], (OUT_FEATS, 2 * MAPPING), dtype=jnp.float32) * 0.04
    b_proj = jnp.zeros((OUT_FEATS,), dtype=jnp.float32)
    # conv.lin_fusion: Linear(2*OUT_FEATS -> OUT_FEATS)
    W_fus = jax.random.normal(ks[4], (OUT_FEATS, 2 * OUT_FEATS), dtype=jnp.float32) * 0.04
    b_fus = jnp.zeros((OUT_FEATS,), dtype=jnp.float32)
    # BatchNorm1d affine params (training-mode batch stats)
    gamma = jnp.ones((OUT_FEATS,), dtype=jnp.float32)
    beta = jnp.zeros((OUT_FEATS,), dtype=jnp.float32)
    return {"x": x, "edge_index": edge_index, "B": B, "W_proj": W_proj,
            "b_proj": b_proj, "W_fus": W_fus, "b_fus": b_fus,
            "gamma": gamma, "beta": beta}


def reference(x, edge_index, B, W_proj, b_proj, W_fus, b_fus, gamma, beta):
    n = x.shape[0]
    # 1) Fourier feature mapping
    x_proj = 2.0 * jnp.pi * (x @ B)
    x_ffm = jnp.concatenate([jnp.cos(x_proj), jnp.sin(x_proj)], axis=-1)
    # 2) linear projection
    x_embed = x_ffm @ W_proj.T + b_proj
    # 3) EMFullComplexLayer: mean aggregation of source features per dst node
    src = edge_index[0]
    dst = edge_index[1]
    msgs = x_embed[src]  # gather (SparseCore)
    summed = jax.ops.segment_sum(msgs, dst, num_segments=n)
    cnt = jax.ops.segment_sum(jnp.ones((msgs.shape[0],), dtype=x.dtype), dst, num_segments=n)
    aggs = jnp.where(cnt[:, None] > 0, summed / jnp.maximum(cnt[:, None], 1.0), 0.0)
    combined = jnp.concatenate([x_embed, aggs], axis=1)
    fused = combined @ W_fus.T + b_fus
    # 4) BatchNorm1d (training mode: batch statistics, biased variance, eps=1e-5)
    mean = jnp.mean(fused, axis=0)
    var = jnp.var(fused, axis=0)
    x_bn = (fused - mean) / jnp.sqrt(var + 1e-5) * gamma + beta
    # 5) exact GELU (torch nn.GELU default)
    return jax.nn.gelu(x_bn, approximate=False)

if __name__ == "__main__":
    import jax
    _d = setup_inputs()
    print(jax.jit(kernel)(*tuple(_d.values())))

</pallas_src>

<mosaic_0001>
#map = affine_map<(d0, d1) -> (0, 0, 0)>
#map1 = affine_map<(d0, d1) -> (0, 0)>
#map2 = affine_map<(d0, d1) -> (0)>
module attributes {stable_mosaic.version = 14 : i64} {
  func.func @_sc_body(%arg0: i32, %arg1: i32, %arg2: memref<2528x2x128xi32, #tpu.memory_space<hbm>>, %arg3: memref<10000x128xf32, #tpu.memory_space<hbm>>, %arg4: memref<640x128xf32, #tpu.memory_space<hbm>>, %arg5: memref<640xf32, #tpu.memory_space<hbm>>, %arg6: memref<2x10240x128xf32, #tpu.memory_space<hbm>>, %arg7: memref<2x10240xf32, #tpu.memory_space<hbm>>, %arg8: memref<10240x128xf32, #tpu.memory_space<vmem_shared>>, %arg9: memref<10240xf32, #tpu.memory_space<vmem_shared>>, %arg10: memref<2x128xi32, #tpu.memory_space<vmem>>, %arg11: memref<128x128xf32, #tpu.memory_space<vmem>>, %arg12: memref<128xf32, #tpu.memory_space<vmem>>, %arg13: memref<!tpu.dma_semaphore, #tpu.memory_space<semaphore_mem>>) attributes {dimension_semantics = [#tpu.dimension_semantics<core_parallel>, #tpu.dimension_semantics<subcore_parallel>], iteration_bounds = array<i64: 2, 16>, scalar_prefetch = 0 : i64, scratch_operands = 6 : i64, tpu.core_type = #tpu.core_type<sc_vector_subcore>, window_params = [{transform_indices = #map}, {transform_indices = #map1}, {transform_indices = #map1}, {transform_indices = #map2}, {transform_indices = #map}, {transform_indices = #map1}]} {
    %mul3A = arith.constant 16 : i32
    %mul3A_0 = arith.muli %arg0, %mul3A : i32
    %add3A = arith.addi %mul3A_0, %arg1 : i32
    %broadcast_in_dim3A = arith.constant 1.000000e+00 : f32
    %broadcast_in_dim3A_1 = vector.broadcast %broadcast_in_dim3A : f32 to vector<16xf32>
    %swap3A = arith.constant 0 : index
    %swap3A_2 = tpu.vector_load %arg12[%swap3A] {strides = array<i32>} : memref<128xf32, #tpu.memory_space<vmem>>, vector<16xf32>,
    %swap3A_3 = vector.shape_cast %swap3A_2 : vector<16xf32> to vector<16xf32>
    %swap3A_4 = vector.shape_cast %broadcast_in_dim3A_1 : vector<16xf32> to vector<16xf32>
    tpu.vector_store %arg12[%swap3A], %swap3A_4 {strides = array<i32>} : memref<128xf32, #tpu.memory_space<vmem>>, vector<16xf32>,
    %broadcast_in_dim3A_5 = arith.constant 1.000000e+00 : f32
    %broadcast_in_dim3A_6 = vector.broadcast %broadcast_in_dim3A_5 : f32 to vector<16xf32>
    %swap3A_7 = arith.constant 16 : index
    %swap3A_8 = tpu.vector_load %arg12[%swap3A_7] {strides = array<i32>} : memref<128xf32, #tpu.memory_space<vmem>>, vector<16xf32>,
    %swap3A_9 = vector.shape_cast %swap3A_8 : vector<16xf32> to vector<16xf32>
    %swap3A_10 = vector.shape_cast %broadcast_in_dim3A_6 : vector<16xf32> to vector<16xf32>
    tpu.vector_store %arg12[%swap3A_7], %swap3A_10 {strides = array<i32>} : memref<128xf32, #tpu.memory_space<vmem>>, vector<16xf32>,
    %broadcast_in_dim3A_11 = arith.constant 1.000000e+00 : f32
    %broadcast_in_dim3A_12 = vector.broadcast %broadcast_in_dim3A_11 : f32 to vector<16xf32>
    %swap3A_13 = arith.constant 32 : index
    %swap3A_14 = tpu.vector_load %arg12[%swap3A_13] {strides = array<i32>} : memref<128xf32, #tpu.memory_space<vmem>>, vector<16xf32>,
    %swap3A_15 = vector.shape_cast %swap3A_14 : vector<16xf32> to vector<16xf32>
    %swap3A_16 = vector.shape_cast %broadcast_in_dim3A_12 : vector<16xf32> to vector<16xf32>
    tpu.vector_store %arg12[%swap3A_13], %swap3A_16 {strides = array<i32>} : memref<128xf32, #tpu.memory_space<vmem>>, vector<16xf32>,
    %broadcast_in_dim3A_17 = arith.constant 1.000000e+00 : f32
    %broadcast_in_dim3A_18 = vector.broadcast %broadcast_in_dim3A_17 : f32 to vector<16xf32>
    %swap3A_19 = arith.constant 48 : index
    %swap3A_20 = tpu.vector_load %arg12[%swap3A_19] {strides = array<i32>} : memref<128xf32, #tpu.memory_space<vmem>>, vector<16xf32>,
    %swap3A_21 = vector.shape_cast %swap3A_20 : vector<16xf32> to vector<16xf32>
    %swap3A_22 = vector.shape_cast %broadcast_in_dim3A_18 : vector<16xf32> to vector<16xf32>
    tpu.vector_store %arg12[%swap3A_19], %swap3A_22 {strides = array<i32>} : memref<128xf32, #tpu.memory_space<vmem>>, vector<16xf32>,
    %broadcast_in_dim3A_23 = arith.constant 1.000000e+00 : f32
    %broadcast_in_dim3A_24 = vector.broadcast %broadcast_in_dim3A_23 : f32 to vector<16xf32>
    %swap3A_25 = arith.constant 64 : index
    %swap3A_26 = tpu.vector_load %arg12[%swap3A_25] {strides = array<i32>} : memref<128xf32, #tpu.memory_space<vmem>>, vector<16xf32>,
    %swap3A_27 = vector.shape_cast %swap3A_26 : vector<16xf32> to vector<16xf32>
    %swap3A_28 = vector.shape_cast %broadcast_in_dim3A_24 : vector<16xf32> to vector<16xf32>
    tpu.vector_store %arg12[%swap3A_25], %swap3A_28 {strides = array<i32>} : memref<128xf32, #tpu.memory_space<vmem>>, vector<16xf32>,
    %broadcast_in_dim3A_29 = arith.constant 1.000000e+00 : f32
    %broadcast_in_dim3A_30 = vector.broadcast %broadcast_in_dim3A_29 : f32 to vector<16xf32>
    %swap3A_31 = arith.constant 80 : index
    %swap3A_32 = tpu.vector_load %arg12[%swap3A_31] {strides = array<i32>} : memref<128xf32, #tpu.memory_space<vmem>>, vector<16xf32>,
    %swap3A_33 = vector.shape_cast %swap3A_32 : vector<16xf32> to vector<16xf32>
    %swap3A_34 = vector.shape_cast %broadcast_in_dim3A_30 : vector<16xf32> to vector<16xf32>
    tpu.vector_store %arg12[%swap3A_31], %swap3A_34 {strides = array<i32>} : memref<128xf32, #tpu.memory_space<vmem>>, vector<16xf32>,
    %broadcast_in_dim3A_35 = arith.constant 1.000000e+00 : f32
    %broadcast_in_dim3A_36 = vector.broadcast %broadcast_in_dim3A_35 : f32 to vector<16xf32>
    %swap3A_37 = arith.constant 96 : index
    %swap3A_38 = tpu.vector_load %arg12[%swap3A_37] {strides = array<i32>} : memref<128xf32, #tpu.memory_space<vmem>>, vector<16xf32>,
    %swap3A_39 = vector.shape_cast %swap3A_38 : vector<16xf32> to vector<16xf32>
    %swap3A_40 = vector.shape_cast %broadcast_in_dim3A_36 : vector<16xf32> to vector<16xf32>
    tpu.vector_store %arg12[%swap3A_37], %swap3A_40 {strides = array<i32>} : memref<128xf32, #tpu.memory_space<vmem>>, vector<16xf32>,
    %broadcast_in_dim3A_41 = arith.constant 1.000000e+00 : f32
    %broadcast_in_dim3A_42 = vector.broadcast %broadcast_in_dim3A_41 : f32 to vector<16xf32>
    %swap3A_43 = arith.constant 112 : index
    %swap3A_44 = tpu.vector_load %arg12[%swap3A_43] {strides = array<i32>} : memref<128xf32, #tpu.memory_space<vmem>>, vector<16xf32>,
    %swap3A_45 = vector.shape_cast %swap3A_44 : vector<16xf32> to vector<16xf32>
    %swap3A_46 = vector.shape_cast %broadcast_in_dim3A_42 : vector<16xf32> to vector<16xf32>
    tpu.vector_store %arg12[%swap3A_43], %swap3A_46 {strides = array<i32>} : memref<128xf32, #tpu.memory_space<vmem>>, vector<16xf32>,
    %mul3A_47 = arith.constant 640 : i32
    %mul3A_48 = arith.muli %arg1, %mul3A_47 : i32
    "tpu.region"() ({
      %run_scoped3A = tpu.sem_alloc : memref<!tpu.dma_semaphore, #tpu.memory_space<semaphore_mem>>
      %dma_start3A = arith.constant 0 : i32
      %dma_start3A_67 = tpu.memref_slice %arg8[%mul3A_48, %dma_start3A] : memref<10240x128xf32, #tpu.memory_space<vmem_shared>> -> memref<640x128xf32, #tpu.memory_space<vmem_shared>>
      tpu.enqueue_dma source(%arg4 : memref<640x128xf32, #tpu.memory_space<hbm>>) target(%dma_start3A_67 : memref<640x128xf32, #tpu.memory_space<vmem_shared>>) target_semaphore(%run_scoped3A : memref<!tpu.dma_semaphore, #tpu.memory_space<semaphore_mem>>)
      %dma_wait3A = arith.constant 0 : i32
      %dma_wait3A_68 = tpu.memref_slice %arg8[%mul3A_48, %dma_wait3A] : memref<10240x128xf32, #tpu.memory_space<vmem_shared>> -> memref<640x128xf32, #tpu.memory_space<vmem_shared>>
      tpu.wait_dma2 semaphore(%run_scoped3A : memref<!tpu.dma_semaphore, #tpu.memory_space<semaphore_mem>>) src(%arg4 : memref<640x128xf32, #tpu.memory_space<hbm>>) dst(%dma_wait3A_68 : memref<640x128xf32, #tpu.memory_space<vmem_shared>>)
      tpu.yield
    }) : () -> ()
    %mul3A_49 = arith.constant 640 : i32
    %mul3A_50 = arith.muli %arg1, %mul3A_49 : i32
    "tpu.region"() ({
      %run_scoped3A = tpu.sem_alloc : memref<!tpu.dma_semaphore, #tpu.memory_space<semaphore_mem>>
      %dma_start3A = tpu.memref_slice %arg9[%mul3A_50] : memref<10240xf32, #tpu.memory_space<vmem_shared>> -> memref<640xf32, #tpu.memory_space<vmem_shared>>
      tpu.enqueue_dma source(%arg5 : memref<640xf32, #tpu.memory_space<hbm>>) target(%dma_start3A : memref<640xf32, #tpu.memory_space<vmem_shared>>) target_semaphore(%run_scoped3A : memref<!tpu.dma_semaphore, #tpu.memory_space<semaphore_mem>>)
      %dma_wait3A = tpu.memref_slice %arg9[%mul3A_50] : memref<10240xf32, #tpu.memory_space<vmem_shared>> -> memref<640xf32, #tpu.memory_space<vmem_shared>>
      tpu.wait_dma2 semaphore(%run_scoped3A : memref<!tpu.dma_semaphore, #tpu.memory_space<semaphore_mem>>) src(%arg5 : memref<640xf32, #tpu.memory_space<hbm>>) dst(%dma_wait3A : memref<640xf32, #tpu.memory_space<vmem_shared>>)
      tpu.yield
    }) : () -> ()
    %barrier3A = arith.constant 0 : index
    tpu.barrier barrier_id(%barrier3A)
    %mul3A_51 = arith.constant 79 : i32
    %mul3A_52 = arith.muli %add3A, %mul3A_51 : i32
    %scan3A = arith.constant 0 : i32
    %scan3A_53 = arith.constant 0 : i32
    %scan3A_54 = arith.constant 79 : i32
    %scan3A_55 = arith.addi %scan3A_53, %scan3A_54 : i32
    %scan3A_56 = arith.constant 1 : i32
    scf.for %scan3A_67 = %scan3A_53 to %scan3A_55 step %scan3A_56  : i32 {
      %add3A_68 = arith.addi %mul3A_52, %scan3A_67 : i32
      "tpu.region"() ({
        %run_scoped3A_82 = tpu.sem_alloc : memref<!tpu.dma_semaphore, #tpu.memory_space<semaphore_mem>>
        %dma_start3A_83 = arith.constant 0 : i32
        %dma_start3A_84 = arith.constant 0 : i32
        %dma_start3A_85 = tpu.memref_slice %arg2[%add3A_68, %dma_start3A_83, %dma_start3A_84] : memref<2528x2x128xi32, #tpu.memory_space<hbm>> -> memref<1x2x128xi32, #tpu.memory_space<hbm>>
        %dma_start3A_86 = tpu.memref_squeeze %dma_start3A_85 : memref<1x2x128xi32, #tpu.memory_space<hbm>> -> memref<2x128xi32, #tpu.memory_space<hbm>>
        %dma_start3A_87 = arith.constant 0 : i32
        %dma_start3A_88 = arith.constant 0 : i32
        %dma_start3A_89 = tpu.memref_slice %arg2[%add3A_68, %dma_start3A_87, %dma_start3A_88] : memref<2528x2x128xi32, #tpu.memory_space<hbm>> -> memref<1x2x128xi32, #tpu.memory_space<hbm>>
        %dma_start3A_90 = tpu.memref_squeeze %dma_start3A_89 : memref<1x2x128xi32, #tpu.memory_space<hbm>> -> memref<2x128xi32, #tpu.memory_space<hbm>>
        tpu.enqueue_dma source(%dma_start3A_90 : memref<2x128xi32, #tpu.memory_space<hbm>>) target(%arg10 : memref<2x128xi32, #tpu.memory_space<vmem>>) target_semaphore(%run_scoped3A_82 : memref<!tpu.dma_semaphore, #tpu.memory_space<semaphore_mem>>)
        %dma_wait3A_91 = arith.constant 0 : i32
        %dma_wait3A_92 = arith.constant 0 : i32
        %dma_wait3A_93 = tpu.memref_slice %arg2[%add3A_68, %dma_wait3A_91, %dma_wait3A_92] : memref<2528x2x128xi32, #tpu.memory_space<hbm>> -> memref<1x2x128xi32, #tpu.memory_space<hbm>>
        %dma_wait3A_94 = tpu.memref_squeeze %dma_wait3A_93 : memref<1x2x128xi32, #tpu.memory_space<hbm>> -> memref<2x128xi32, #tpu.memory_space<hbm>>
        %dma_wait3A_95 = arith.constant 0 : i32
        %dma_wait3A_96 = arith.constant 0 : i32
        %dma_wait3A_97 = tpu.memref_slice %arg2[%add3A_68, %dma_wait3A_95, %dma_wait3A_96] : memref<2528x2x128xi32, #tpu.memory_space<hbm>> -> memref<1x2x128xi32, #tpu.memory_space<hbm>>
        %dma_wait3A_98 = tpu.memref_squeeze %dma_wait3A_97 : memref<1x2x128xi32, #tpu.memory_space<hbm>> -> memref<2x128xi32, #tpu.memory_space<hbm>>
        tpu.wait_dma2 semaphore(%run_scoped3A_82 : memref<!tpu.dma_semaphore, #tpu.memory_space<semaphore_mem>>) src(%dma_wait3A_98 : memref<2x128xi32, #tpu.memory_space<hbm>>) dst(%arg10 : memref<2x128xi32, #tpu.memory_space<vmem>>)
        tpu.yield
      }) : () -> ()
      %dma_start3A = arith.constant 0 : i32
      %dma_start3A_69 = arith.constant 0 : i32
      %dma_start3A_70 = tpu.memref_slice %arg10[%dma_start3A, %dma_start3A_69] : memref<2x128xi32, #tpu.memory_space<vmem>> -> memref<1x128xi32, #tpu.memory_space<vmem>>
      %dma_start3A_71 = tpu.memref_squeeze %dma_start3A_70 : memref<1x128xi32, #tpu.memory_space<vmem>> -> memref<128xi32, #tpu.memory_space<vmem>>
      %dma_start3A_72 = arith.constant 0 : i32
      %dma_start3A_73 = arith.constant 0 : i32
      %dma_start3A_74 = tpu.memref_slice %arg3[%dma_start3A_72, %dma_start3A_73] : memref<10000x128xf32, #tpu.memory_space<hbm>> -> memref<10000x128xf32, #tpu.memory_space<hbm>>
      tpu.enqueue_indirect_dma source(%dma_start3A_74 : memref<10000x128xf32, #tpu.memory_space<hbm>>) target(%arg11 : memref<128x128xf32, #tpu.memory_space<vmem>>) offsets(%dma_start3A_71 : memref<128xi32, #tpu.memory_space<vmem>>) semaphore(%arg13 : memref<!tpu.dma_semaphore, #tpu.memory_space<semaphore_mem>>)
      %dma_wait3A = arith.constant 0 : i32
      %dma_wait3A_75 = arith.constant 0 : i32
      %dma_wait3A_76 = tpu.memref_slice %arg10[%dma_wait3A, %dma_wait3A_75] : memref<2x128xi32, #tpu.memory_space<vmem>> -> memref<1x128xi32, #tpu.memory_space<vmem>>
      %dma_wait3A_77 = tpu.memref_squeeze %dma_wait3A_76 : memref<1x128xi32, #tpu.memory_space<vmem>> -> memref<128xi32, #tpu.memory_space<vmem>>
      %dma_wait3A_78 = arith.constant 0 : i32
      %dma_wait3A_79 = arith.constant 0 : i32
      %dma_wait3A_80 = tpu.memref_slice %arg3[%dma_wait3A_78, %dma_wait3A_79] : memref<10000x128xf32, #tpu.memory_space<hbm>> -> memref<10000x128xf32, #tpu.memory_space<hbm>>
      tpu.wait_indirect_dma semaphore(%arg13 : memref<!tpu.dma_semaphore, #tpu.memory_space<semaphore_mem>>) src(%dma_wait3A_80 : memref<10000x128xf32, #tpu.memory_space<hbm>>) dst(%arg11 : memref<128x128xf32, #tpu.memory_space<vmem>>)
      %run_scoped3A = arith.constant 1 : i32
      "tpu.region"() ({
        %run_scoped3A_82 = tpu.sem_alloc : memref<!tpu.dma_semaphore, #tpu.memory_space<semaphore_mem>>
        %dma_start3A_83 = arith.constant 0 : i32
        %dma_start3A_84 = tpu.memref_slice %arg10[%run_scoped3A, %dma_start3A_83] : memref<2x128xi32, #tpu.memory_space<vmem>> -> memref<1x128xi32, #tpu.memory_space<vmem>>
        %dma_start3A_85 = tpu.memref_squeeze %dma_start3A_84 : memref<1x128xi32, #tpu.memory_space<vmem>> -> memref<128xi32, #tpu.memory_space<vmem>>
        %dma_start3A_86 = arith.constant 0 : i32
        %dma_start3A_87 = arith.constant 0 : i32
        %dma_start3A_88 = tpu.memref_slice %arg8[%dma_start3A_86, %dma_start3A_87] : memref<10240x128xf32, #tpu.memory_space<vmem_shared>> -> memref<10240x128xf32, #tpu.memory_space<vmem_shared>>
        tpu.enqueue_indirect_dma source(%arg11 : memref<128x128xf32, #tpu.memory_space<vmem>>) target(%dma_start3A_88 : memref<10240x128xf32, #tpu.memory_space<vmem_shared>>) offsets(%dma_start3A_85 : memref<128xi32, #tpu.memory_space<vmem>>) semaphore(%run_scoped3A_82 : memref<!tpu.dma_semaphore, #tpu.memory_space<semaphore_mem>>) {add = true}
        %dma_wait3A_89 = arith.constant 0 : i32
        %dma_wait3A_90 = tpu.memref_slice %arg10[%run_scoped3A, %dma_wait3A_89] : memref<2x128xi32, #tpu.memory_space<vmem>> -> memref<1x128xi32, #tpu.memory_space<vmem>>
        %dma_wait3A_91 = tpu.memref_squeeze %dma_wait3A_90 : memref<1x128xi32, #tpu.memory_space<vmem>> -> memref<128xi32, #tpu.memory_space<vmem>>
        %dma_wait3A_92 = arith.constant 0 : i32
        %dma_wait3A_93 = arith.constant 0 : i32
        %dma_wait3A_94 = tpu.memref_slice %arg8[%dma_wait3A_92, %dma_wait3A_93] : memref<10240x128xf32, #tpu.memory_space<vmem_shared>> -> memref<10240x128xf32, #tpu.memory_space<vmem_shared>>
        tpu.wait_indirect_dma semaphore(%run_scoped3A_82 : memref<!tpu.dma_semaphore, #tpu.memory_space<semaphore_mem>>) src(%arg11 : memref<128x128xf32, #tpu.memory_space<vmem>>) dst(%dma_wait3A_94 : memref<10240x128xf32, #tpu.memory_space<vmem_shared>>)
        tpu.yield
      }) : () -> ()
      %run_scoped3A_81 = arith.constant 1 : i32
      "tpu.region"() ({
        %run_scoped3A_82 = tpu.sem_alloc : memref<!tpu.dma_semaphore, #tpu.memory_space<semaphore_mem>>
        %dma_start3A_83 = arith.constant 0 : i32
        %dma_start3A_84 = tpu.memref_slice %arg10[%run_scoped3A_81, %dma_start3A_83] : memref<2x128xi32, #tpu.memory_space<vmem>> -> memref<1x128xi32, #tpu.memory_space<vmem>>
        %dma_start3A_85 = tpu.memref_squeeze %dma_start3A_84 : memref<1x128xi32, #tpu.memory_space<vmem>> -> memref<128xi32, #tpu.memory_space<vmem>>
        %dma_start3A_86 = arith.constant 0 : i32
        %dma_start3A_87 = tpu.memref_slice %arg9[%dma_start3A_86] : memref<10240xf32, #tpu.memory_space<vmem_shared>> -> memref<10240xf32, #tpu.memory_space<vmem_shared>>
        tpu.enqueue_indirect_dma source(%arg12 : memref<128xf32, #tpu.memory_space<vmem>>) target(%dma_start3A_87 : memref<10240xf32, #tpu.memory_space<vmem_shared>>) offsets(%dma_start3A_85 : memref<128xi32, #tpu.memory_space<vmem>>) semaphore(%run_scoped3A_82 : memref<!tpu.dma_semaphore, #tpu.memory_space<semaphore_mem>>) {add = true}
        %dma_wait3A_88 = arith.constant 0 : i32
        %dma_wait3A_89 = tpu.memref_slice %arg10[%run_scoped3A_81, %dma_wait3A_88] : memref<2x128xi32, #tpu.memory_space<vmem>> -> memref<1x128xi32, #tpu.memory_space<vmem>>
        %dma_wait3A_90 = tpu.memref_squeeze %dma_wait3A_89 : memref<1x128xi32, #tpu.memory_space<vmem>> -> memref<128xi32, #tpu.memory_space<vmem>>
        %dma_wait3A_91 = arith.constant 0 : i32
        %dma_wait3A_92 = tpu.memref_slice %arg9[%dma_wait3A_91] : memref<10240xf32, #tpu.memory_space<vmem_shared>> -> memref<10240xf32, #tpu.memory_space<vmem_shared>>
        tpu.wait_indirect_dma semaphore(%run_scoped3A_82 : memref<!tpu.dma_semaphore, #tpu.memory_space<semaphore_mem>>) src(%arg12 : memref<128xf32, #tpu.memory_space<vmem>>) dst(%dma_wait3A_92 : memref<10240xf32, #tpu.memory_space<vmem_shared>>)
        tpu.yield
      }) : () -> ()
    }
    %scan3A_57 = arith.constant 79 : i32
    %barrier3A_58 = arith.constant 0 : index
    tpu.barrier barrier_id(%barrier3A_58)
    %mul3A_59 = arith.constant 640 : i32
    %mul3A_60 = arith.muli %arg1, %mul3A_59 : i32
    %mul3A_61 = arith.constant 640 : i32
    %mul3A_62 = arith.muli %arg1, %mul3A_61 : i32
    "tpu.region"() ({
      %run_scoped3A = tpu.sem_alloc : memref<!tpu.dma_semaphore, #tpu.memory_space<semaphore_mem>>
      %dma_start3A = arith.constant 0 : i32
      %dma_start3A_67 = tpu.memref_slice %arg6[%arg0, %mul3A_62, %dma_start3A] : memref<2x10240x128xf32, #tpu.memory_space<hbm>> -> memref<1x640x128xf32, #tpu.memory_space<hbm>>
      %dma_start3A_68 = tpu.memref_squeeze %dma_start3A_67 : memref<1x640x128xf32, #tpu.memory_space<hbm>> -> memref<640x128xf32, #tpu.memory_space<hbm>>
      %dma_start3A_69 = arith.constant 0 : i32
      %dma_start3A_70 = tpu.memref_slice %arg8[%mul3A_60, %dma_start3A_69] : memref<10240x128xf32, #tpu.memory_space<vmem_shared>> -> memref<640x128xf32, #tpu.memory_space<vmem_shared>>
      tpu.enqueue_dma source(%dma_start3A_70 : memref<640x128xf32, #tpu.memory_space<vmem_shared>>) target(%dma_start3A_68 : memref<640x128xf32, #tpu.memory_space<hbm>>) target_semaphore(%run_scoped3A : memref<!tpu.dma_semaphore, #tpu.memory_space<semaphore_mem>>)
      %dma_wait3A = arith.constant 0 : i32
      %dma_wait3A_71 = tpu.memref_slice %arg6[%arg0, %mul3A_62, %dma_wait3A] : memref<2x10240x128xf32, #tpu.memory_space<hbm>> -> memref<1x640x128xf32, #tpu.memory_space<hbm>>
      %dma_wait3A_72 = tpu.memref_squeeze %dma_wait3A_71 : memref<1x640x128xf32, #tpu.memory_space<hbm>> -> memref<640x128xf32, #tpu.memory_space<hbm>>
      %dma_wait3A_73 = arith.constant 0 : i32
      %dma_wait3A_74 = tpu.memref_slice %arg8[%mul3A_60, %dma_wait3A_73] : memref<10240x128xf32, #tpu.memory_space<vmem_shared>> -> memref<640x128xf32, #tpu.memory_space<vmem_shared>>
      tpu.wait_dma2 semaphore(%run_scoped3A : memref<!tpu.dma_semaphore, #tpu.memory_space<semaphore_mem>>) src(%dma_wait3A_74 : memref<640x128xf32, #tpu.memory_space<vmem_shared>>) dst(%dma_wait3A_72 : memref<640x128xf32, #tpu.memory_space<hbm>>)
      tpu.yield
    }) : () -> ()
    %mul3A_63 = arith.constant 640 : i32
    %mul3A_64 = arith.muli %arg1, %mul3A_63 : i32
    %mul3A_65 = arith.constant 640 : i32
    %mul3A_66 = arith.muli %arg1, %mul3A_65 : i32
    "tpu.region"() ({
      %run_scoped3A = tpu.sem_alloc : memref<!tpu.dma_semaphore, #tpu.memory_space<semaphore_mem>>
      %dma_start3A = tpu.memref_slice %arg7[%arg0, %mul3A_66] : memref<2x10240xf32, #tpu.memory_space<hbm>> -> memref<1x640xf32, #tpu.memory_space<hbm>>
      %dma_start3A_67 = tpu.memref_squeeze %dma_start3A : memref<1x640xf32, #tpu.memory_space<hbm>> -> memref<640xf32, #tpu.memory_space<hbm>>
      %dma_start3A_68 = tpu.memref_slice %arg9[%mul3A_64] : memref<10240xf32, #tpu.memory_space<vmem_shared>> -> memref<640xf32, #tpu.memory_space<vmem_shared>>
      tpu.enqueue_dma source(%dma_start3A_68 : memref<640xf32, #tpu.memory_space<vmem_shared>>) target(%dma_start3A_67 : memref<640xf32, #tpu.memory_space<hbm>>) target_semaphore(%run_scoped3A : memref<!tpu.dma_semaphore, #tpu.memory_space<semaphore_mem>>)
      %dma_wait3A = tpu.memref_slice %arg7[%arg0, %mul3A_66] : memref<2x10240xf32, #tpu.memory_space<hbm>> -> memref<1x640xf32, #tpu.memory_space<hbm>>
      %dma_wait3A_69 = tpu.memref_squeeze %dma_wait3A : memref<1x640xf32, #tpu.memory_space<hbm>> -> memref<640xf32, #tpu.memory_space<hbm>>
      %dma_wait3A_70 = tpu.memref_slice %arg9[%mul3A_64] : memref<10240xf32, #tpu.memory_space<vmem_shared>> -> memref<640xf32, #tpu.memory_space<vmem_shared>>
      tpu.wait_dma2 semaphore(%run_scoped3A : memref<!tpu.dma_semaphore, #tpu.memory_space<semaphore_mem>>) src(%dma_wait3A_70 : memref<640xf32, #tpu.memory_space<vmem_shared>>) dst(%dma_wait3A_69 : memref<640xf32, #tpu.memory_space<hbm>>)
      tpu.yield
    }) : () -> ()
    return
  }
}

module attributes {stable_mosaic.version = 14 : i64} {
  func.func @_embed_body(%arg0: i32, %arg1: memref<1000x128xf32, #tpu.memory_space<vmem>>, %arg2: memref<128x128xf32, #tpu.memory_space<vmem>>, %arg3: memref<128x256xf32, #tpu.memory_space<vmem>>, %arg4: memref<1x128xf32, #tpu.memory_space<vmem>>, %arg5: memref<1000x128xf32, #tpu.memory_space<vmem>>) attributes {dimension_semantics = [#tpu.dimension_semantics<arbitrary>], iteration_bounds = array<i64: 10>, scalar_prefetch = 0 : i64, scratch_operands = 0 : i64, tpu.core_type = #tpu.core_type<tc>, window_params = [{transform_indices = @transform_0, window_bounds = array<i64: 1000, 128>}, {pipeline_mode = #tpu.pipeline_mode<synchronous>, transform_indices = @transform_1, window_bounds = array<i64: 128, 128>}, {pipeline_mode = #tpu.pipeline_mode<synchronous>, transform_indices = @transform_2, window_bounds = array<i64: 128, 256>}, {pipeline_mode = #tpu.pipeline_mode<synchronous>, transform_indices = @transform_3, window_bounds = array<i64: 1, 128>}, {transform_indices = @transform_4, window_bounds = array<i64: 1000, 128>}]} {
    %get3A = arith.constant 0 : index
    %get3A_0 = arith.constant 0 : index
    %get3A_1 = vector.load %arg1[%get3A, %get3A_0] : memref<1000x128xf32, #tpu.memory_space<vmem>>, vector<1000x128xf32>
    %get3A_2 = arith.constant 0 : index
    %get3A_3 = arith.constant 0 : index
    %get3A_4 = vector.load %arg2[%get3A_2, %get3A_3] : memref<128x128xf32, #tpu.memory_space<vmem>>, vector<128x128xf32>
    %dot_general3A = arith.constant dense<0.000000e+00> : vector<1000x128xf32>
    %dot_general3A_5 = tpu.matmul %get3A_1, %get3A_4, %dot_general3A {dimension_numbers = #tpu.dot_dimension_numbers<[1], [0], [0], [1], [0, 0, 1, 1], [], []>, transpose_lhs_hint = false} : vector<1000x128xf32>, vector<128x128xf32>, vector<1000x128xf32> -> vector<1000x128xf32>
    %mul3A = arith.constant 6.28318548 : f32
    %mul3A_6 = vector.broadcast %mul3A : f32 to vector<1000x128xf32>
    %mul3A_7 = arith.mulf %mul3A_6, %dot_general3A_5 : vector<1000x128xf32>
    %cos3A = math.cos %mul3A_7 : vector<1000x128xf32>
    %get3A_8 = arith.constant 0 : index
    %get3A_9 = arith.constant 0 : index
    %get3A_10 = vector.load %arg3[%get3A_8, %get3A_9] : memref<128x256xf32, #tpu.memory_space<vmem>>, vector<128x256xf32>
    %slice3A = vector.extract_strided_slice %get3A_10 {offsets = [0, 0], sizes = [128, 128], strides = [1, 1]} : vector<128x256xf32> to vector<128x128xf32>
    %dot_general3A_11 = arith.constant dense<0.000000e+00> : vector<1000x128xf32>
    %dot_general3A_12 = tpu.matmul %cos3A, %slice3A, %dot_general3A_11 {dimension_numbers = #tpu.dot_dimension_numbers<[1], [1], [0], [0], [0, 0, 1, 0], [], []>, transpose_lhs_hint = false} : vector<1000x128xf32>, vector<128x128xf32>, vector<1000x128xf32> -> vector<1000x128xf32>
    %sin3A = math.sin %mul3A_7 : vector<1000x128xf32>
    %get3A_13 = arith.constant 0 : index
    %get3A_14 = arith.constant 0 : index
    %get3A_15 = vector.load %arg3[%get3A_13, %get3A_14] : memref<128x256xf32, #tpu.memory_space<vmem>>, vector<128x256xf32>
    %slice3A_16 = vector.extract_strided_slice %get3A_15 {offsets = [0, 128], sizes = [128, 128], strides = [1, 1]} : vector<128x256xf32> to vector<128x128xf32>
    %dot_general3A_17 = arith.constant dense<0.000000e+00> : vector<1000x128xf32>
    %dot_general3A_18 = tpu.matmul %sin3A, %slice3A_16, %dot_general3A_17 {dimension_numbers = #tpu.dot_dimension_numbers<[1], [1], [0], [0], [0, 0, 1, 0], [], []>, transpose_lhs_hint = false} : vector<1000x128xf32>, vector<128x128xf32>, vector<1000x128xf32> -> vector<1000x128xf32>
    %add3A = arith.addf %dot_general3A_12, %dot_general3A_18 : vector<1000x128xf32>
    %get3A_19 = arith.constant 0 : index
    %get3A_20 = arith.constant 0 : index
    %get3A_21 = vector.load %arg4[%get3A_19, %get3A_20] : memref<1x128xf32, #tpu.memory_space<vmem>>, vector<1x128xf32>
    %add3A_22 = vector.broadcast %get3A_21 : vector<1x128xf32> to vector<1000x128xf32>
    %add3A_23 = arith.addf %add3A, %add3A_22 : vector<1000x128xf32>
    %swap3A = arith.constant 0 : index
    %swap3A_24 = arith.constant 0 : index
    %swap3A_25 = vector.load %arg5[%swap3A, %swap3A_24] : memref<1000x128xf32, #tpu.memory_space<vmem>>, vector<1000x128xf32>
    tpu.vector_store %arg5[%swap3A, %swap3A_24], %add3A_23 {strides = array<i32>} : memref<1000x128xf32, #tpu.memory_space<vmem>>, vector<1000x128xf32>,
    return
  }
  func.func @transform_0(%arg0: i32) -> (i32, i32) {
    %c0_i32 = arith.constant 0 : i32
    %c0_i32_0 = arith.constant 0 : i32
    return %arg0, %c0_i32 : i32, i32
  }
  func.func @transform_1(%arg0: i32) -> (i32, i32) {
    %c0_i32 = arith.constant 0 : i32
    %c0_i32_0 = arith.constant 0 : i32
    %c0_i32_1 = arith.constant 0 : i32
    return %c0_i32, %c0_i32_0 : i32, i32
  }
  func.func @transform_2(%arg0: i32) -> (i32, i32) {
    %c0_i32 = arith.constant 0 : i32
    %c0_i32_0 = arith.constant 0 : i32
    %c0_i32_1 = arith.constant 0 : i32
    return %c0_i32, %c0_i32_0 : i32, i32
  }
  func.func @transform_3(%arg0: i32) -> (i32, i32) {
    %c0_i32 = arith.constant 0 : i32
    %c0_i32_0 = arith.constant 0 : i32
    %c0_i32_1 = arith.constant 0 : i32
    return %c0_i32, %c0_i32_0 : i32, i32
  }
  func.func @transform_4(%arg0: i32) -> (i32, i32) {
    %c0_i32 = arith.constant 0 : i32
    %c0_i32_0 = arith.constant 0 : i32
    return %arg0, %c0_i32 : i32, i32
  }
}

module attributes {stable_mosaic.version = 14 : i64} {
  func.func @_fuse_body(%arg0: i32, %arg1: memref<1000x128xf32, #tpu.memory_space<vmem>>, %arg2: memref<2x1000x128xf32, #tpu.memory_space<vmem>>, %arg3: memref<2x1000x1xf32, #tpu.memory_space<vmem>>, %arg4: memref<128x256xf32, #tpu.memory_space<vmem>>, %arg5: memref<1x128xf32, #tpu.memory_space<vmem>>, %arg6: memref<1000x128xf32, #tpu.memory_space<vmem>>, %arg7: memref<1x128xf32, #tpu.memory_space<vmem>>, %arg8: memref<1x128xf32, #tpu.memory_space<vmem>>) attributes {dimension_semantics = [#tpu.dimension_semantics<arbitrary>], iteration_bounds = array<i64: 10>, scalar_prefetch = 0 : i64, scratch_operands = 0 : i64, tpu.core_type = #tpu.core_type<tc>, window_params = [{transform_indices = @transform_0, window_bounds = array<i64: 1000, 128>}, {transform_indices = @transform_1, window_bounds = array<i64: 2, 1000, 128>}, {transform_indices = @transform_2, window_bounds = array<i64: 2, 1000, 1>}, {pipeline_mode = #tpu.pipeline_mode<synchronous>, transform_indices = @transform_3, window_bounds = array<i64: 128, 256>}, {pipeline_mode = #tpu.pipeline_mode<synchronous>, transform_indices = @transform_4, window_bounds = array<i64: 1, 128>}, {transform_indices = @transform_5, window_bounds = array<i64: 1000, 128>}, {pipeline_mode = #tpu.pipeline_mode<synchronous>, transform_indices = @transform_6, window_bounds = array<i64: 1, 128>}, {pipeline_mode = #tpu.pipeline_mode<synchronous>, transform_indices = @transform_7, window_bounds = array<i64: 1, 128>}]} {
    %get3A = arith.constant 0 : index
    %get3A_0 = arith.constant 0 : index
    %get3A_1 = arith.constant 0 : index
    %get3A_2 = vector.load %arg2[%get3A, %get3A_0, %get3A_1] : memref<2x1000x128xf32, #tpu.memory_space<vmem>>, vector<1x1000x128xf32>
    %get3A_3 = vector.shape_cast %get3A_2 : vector<1x1000x128xf32> to vector<1000x128xf32>
    %get3A_4 = arith.constant 1 : index
    %get3A_5 = arith.constant 0 : index
    %get3A_6 = arith.constant 0 : index
    %get3A_7 = vector.load %arg2[%get3A_4, %get3A_5, %get3A_6] : memref<2x1000x128xf32, #tpu.memory_space<vmem>>, vector<1x1000x128xf32>
    %get3A_8 = vector.shape_cast %get3A_7 : vector<1x1000x128xf32> to vector<1000x128xf32>
    %add3A = arith.addf %get3A_3, %get3A_8 : vector<1000x128xf32>
    %get3A_9 = arith.constant 0 : index
    %get3A_10 = arith.constant 0 : index
    %get3A_11 = arith.constant 0 : index
    %get3A_12 = vector.load %arg3[%get3A_9, %get3A_10, %get3A_11] : memref<2x1000x1xf32, #tpu.memory_space<vmem>>, vector<1x1000x1xf32>
    %get3A_13 = vector.shape_cast %get3A_12 : vector<1x1000x1xf32> to vector<1000x1xf32>
    %get3A_14 = arith.constant 1 : index
    %get3A_15 = arith.constant 0 : index
    %get3A_16 = arith.constant 0 : index
    %get3A_17 = vector.load %arg3[%get3A_14, %get3A_15, %get3A_16] : memref<2x1000x1xf32, #tpu.memory_space<vmem>>, vector<1x1000x1xf32>
    %get3A_18 = vector.shape_cast %get3A_17 : vector<1x1000x1xf32> to vector<1000x1xf32>
    %add3A_19 = arith.addf %get3A_13, %get3A_18 : vector<1000x1xf32>
    %gt3A = arith.constant 0.000000e+00 : f32
    %gt3A_20 = vector.broadcast %gt3A : f32 to vector<1000x1xf32>
    %gt3A_21 = arith.cmpf ogt, %add3A_19, %gt3A_20 : vector<1000x1xf32>
    %max3A = arith.constant 1.000000e+00 : f32
    %max3A_22 = vector.broadcast %max3A : f32 to vector<1000x1xf32>
    %max3A_23 = arith.maximumf %add3A_19, %max3A_22 : vector<1000x1xf32>
    %div3A = vector.broadcast %max3A_23 : vector<1000x1xf32> to vector<1000x128xf32>
    %div3A_24 = arith.divf %add3A, %div3A : vector<1000x128xf32>
    %jit3A = arith.constant 0.000000e+00 : f32
    %broadcast_in_dim3A = vector.shape_cast %gt3A_21 : vector<1000x1xi1> to vector<1000x1xi1>
    %broadcast_in_dim3A_25 = vector.broadcast %broadcast_in_dim3A : vector<1000x1xi1> to vector<1000x128xi1>
    %broadcast_in_dim3A_26 = vector.broadcast %jit3A : f32 to vector<1000x128xf32>
    %select_n3A = arith.select %broadcast_in_dim3A_25, %div3A_24, %broadcast_in_dim3A_26 : vector<1000x128xi1>, vector<1000x128xf32>
    %get3A_27 = arith.constant 0 : index
    %get3A_28 = arith.constant 0 : index
    %get3A_29 = vector.load %arg1[%get3A_27, %get3A_28] : memref<1000x128xf32, #tpu.memory_space<vmem>>, vector<1000x128xf32>
    %get3A_30 = arith.constant 0 : index
    %get3A_31 = arith.constant 0 : index
    %get3A_32 = vector.load %arg4[%get3A_30, %get3A_31] : memref<128x256xf32, #tpu.memory_space<vmem>>, vector<128x256xf32>
    %slice3A = vector.extract_strided_slice %get3A_32 {offsets = [0, 0], sizes = [128, 128], strides = [1, 1]} : vector<128x256xf32> to vector<128x128xf32>
    %dot_general3A = arith.constant dense<0.000000e+00> : vector<1000x128xf32>
    %dot_general3A_33 = tpu.matmul %get3A_29, %slice3A, %dot_general3A {dimension_numbers = #tpu.dot_dimension_numbers<[1], [1], [0], [0], [0, 0, 1, 0], [], []>, transpose_lhs_hint = false} : vector<1000x128xf32>, vector<128x128xf32>, vector<1000x128xf32> -> vector<1000x128xf32>
    %get3A_34 = arith.constant 0 : index
    %get3A_35 = arith.constant 0 : index
    %get3A_36 = vector.load %arg4[%get3A_34, %get3A_35] : memref<128x256xf32, #tpu.memory_space<vmem>>, vector<128x256xf32>
    %slice3A_37 = vector.extract_strided_slice %get3A_36 {offsets = [0, 128], sizes = [128, 128], strides = [1, 1]} : vector<128x256xf32> to vector<128x128xf32>
    %dot_general3A_38 = arith.constant dense<0.000000e+00> : vector<1000x128xf32>
    %dot_general3A_39 = tpu.matmul %select_n3A, %slice3A_37, %dot_general3A_38 {dimension_numbers = #tpu.dot_dimension_numbers<[1], [1], [0], [0], [0, 0, 1, 0], [], []>, transpose_lhs_hint = false} : vector<1000x128xf32>, vector<128x128xf32>, vector<1000x128xf32> -> vector<1000x128xf32>
    %add3A_40 = arith.addf %dot_general3A_33, %dot_general3A_39 : vector<1000x128xf32>
    %get3A_41 = arith.constant 0 : index
    %get3A_42 = arith.constant 0 : index
    %get3A_43 = vector.load %arg5[%get3A_41, %get3A_42] : memref<1x128xf32, #tpu.memory_space<vmem>>, vector<1x128xf32>
    %add3A_44 = vector.broadcast %get3A_43 : vector<1x128xf32> to vector<1000x128xf32>
    %add3A_45 = arith.addf %add3A_40, %add3A_44 : vector<1000x128xf32>
    %swap3A = arith.constant 0 : index
    %swap3A_46 = arith.constant 0 : index
    %swap3A_47 = vector.load %arg6[%swap3A, %swap3A_46] : memref<1000x128xf32, #tpu.memory_space<vmem>>, vector<1000x128xf32>
    tpu.vector_store %arg6[%swap3A, %swap3A_46], %add3A_45 {strides = array<i32>} : memref<1000x128xf32, #tpu.memory_space<vmem>>, vector<1000x128xf32>,
    %eq3A = arith.constant 0 : i32
    %eq3A_48 = arith.cmpi eq, %arg0, %eq3A : i32
    %convert_element_type3A = arith.extui %eq3A_48 : i1 to i32
    %cond3A = arith.constant 0 : i32
    %cond3A_49 = arith.cmpi ne, %convert_element_type3A, %cond3A : i32
    scf.if %cond3A_49 {
      %broadcast_in_dim3A_69 = arith.constant 0.000000e+00 : f32
      %broadcast_in_dim3A_70 = vector.broadcast %broadcast_in_dim3A_69 : f32 to vector<1x128xf32>
      %swap3A_71 = arith.constant 0 : index
      %swap3A_72 = arith.constant 0 : index
      %swap3A_73 = vector.load %arg7[%swap3A_71, %swap3A_72] : memref<1x128xf32, #tpu.memory_space<vmem>>, vector<1x128xf32>
      tpu.vector_store %arg7[%swap3A_71, %swap3A_72], %broadcast_in_dim3A_70 {strides = array<i32>} : memref<1x128xf32, #tpu.memory_space<vmem>>, vector<1x128xf32>,
      %broadcast_in_dim3A_74 = arith.constant 0.000000e+00 : f32
      %broadcast_in_dim3A_75 = vector.broadcast %broadcast_in_dim3A_74 : f32 to vector<1x128xf32>
      %swap3A_76 = arith.constant 0 : index
      %swap3A_77 = arith.constant 0 : index
      %swap3A_78 = vector.load %arg8[%swap3A_76, %swap3A_77] : memref<1x128xf32, #tpu.memory_space<vmem>>, vector<1x128xf32>
      tpu.vector_store %arg8[%swap3A_76, %swap3A_77], %broadcast_in_dim3A_75 {strides = array<i32>} : memref<1x128xf32, #tpu.memory_space<vmem>>, vector<1x128xf32>,
    } else {
    }
    %get3A_50 = arith.constant 0 : index
    %get3A_51 = arith.constant 0 : index
    %get3A_52 = vector.load %arg7[%get3A_50, %get3A_51] : memref<1x128xf32, #tpu.memory_space<vmem>>, vector<1x128xf32>
    %reduce_sum3A = arith.constant dense<0.000000e+00> : vector<128xf32>
    %reduce_sum3A_53 = vector.multi_reduction <add>, %add3A_45, %reduce_sum3A [0] : vector<1000x128xf32> to vector<128xf32>
    %broadcast_in_dim3A_54 = vector.shape_cast %reduce_sum3A_53 : vector<128xf32> to vector<1x128xf32>
    %add3A_55 = arith.addf %get3A_52, %broadcast_in_dim3A_54 : vector<1x128xf32>
    %swap3A_56 = arith.constant 0 : index
    %swap3A_57 = arith.constant 0 : index
    %swap3A_58 = vector.load %arg7[%swap3A_56, %swap3A_57] : memref<1x128xf32, #tpu.memory_space<vmem>>, vector<1x128xf32>
    tpu.vector_store %arg7[%swap3A_56, %swap3A_57], %add3A_55 {strides = array<i32>} : memref<1x128xf32, #tpu.memory_space<vmem>>, vector<1x128xf32>,
    %get3A_59 = arith.constant 0 : index
    %get3A_60 = arith.constant 0 : index
    %get3A_61 = vector.load %arg8[%get3A_59, %get3A_60] : memref<1x128xf32, #tpu.memory_space<vmem>>, vector<1x128xf32>
    %mul3A = arith.mulf %add3A_45, %add3A_45 : vector<1000x128xf32>
    %reduce_sum3A_62 = arith.constant dense<0.000000e+00> : vector<128xf32>
    %reduce_sum3A_63 = vector.multi_reduction <add>, %mul3A, %reduce_sum3A_62 [0] : vector<1000x128xf32> to vector<128xf32>
    %broadcast_in_dim3A_64 = vector.shape_cast %reduce_sum3A_63 : vector<128xf32> to vector<1x128xf32>
    %add3A_65 = arith.addf %get3A_61, %broadcast_in_dim3A_64 : vector<1x128xf32>
    %swap3A_66 = arith.constant 0 : index
    %swap3A_67 = arith.constant 0 : index
    %swap3A_68 = vector.load %arg8[%swap3A_66, %swap3A_67] : memref<1x128xf32, #tpu.memory_space<vmem>>, vector<1x128xf32>
    tpu.vector_store %arg8[%swap3A_66, %swap3A_67], %add3A_65 {strides = array<i32>} : memref<1x128xf32, #tpu.memory_space<vmem>>, vector<1x128xf32>,
    return
  }
  func.func @transform_0(%arg0: i32) -> (i32, i32) {
    %c0_i32 = arith.constant 0 : i32
    %c0_i32_0 = arith.constant 0 : i32
    return %arg0, %c0_i32 : i32, i32
  }
  func.func @transform_1(%arg0: i32) -> (i32, i32, i32) {
    %c0_i32 = arith.constant 0 : i32
    %c0_i32_0 = arith.constant 0 : i32
    %c0_i32_1 = arith.constant 0 : i32
    return %c0_i32, %arg0, %c0_i32_0 : i32, i32, i32
  }
  func.func @transform_2(%arg0: i32) -> (i32, i32, i32) {
    %c0_i32 = arith.constant 0 : i32
    %c0_i32_0 = arith.constant 0 : i32
    %c0_i32_1 = arith.constant 0 : i32
    return %c0_i32, %arg0, %c0_i32_0 : i32, i32, i32
  }
  func.func @transform_3(%arg0: i32) -> (i32, i32) {
    %c0_i32 = arith.constant 0 : i32
    %c0_i32_0 = arith.constant 0 : i32
    %c0_i32_1 = arith.constant 0 : i32
    return %c0_i32, %c0_i32_0 : i32, i32
  }
  func.func @transform_4(%arg0: i32) -> (i32, i32) {
    %c0_i32 = arith.constant 0 : i32
    %c0_i32_0 = arith.constant 0 : i32
    %c0_i32_1 = arith.constant 0 : i32
    return %c0_i32, %c0_i32_0 : i32, i32
  }
  func.func @transform_5(%arg0: i32) -> (i32, i32) {
    %c0_i32 = arith.constant 0 : i32
    %c0_i32_0 = arith.constant 0 : i32
    return %arg0, %c0_i32 : i32, i32
  }
  func.func @transform_6(%arg0: i32) -> (i32, i32) {
    %c0_i32 = arith.constant 0 : i32
    %c0_i32_0 = arith.constant 0 : i32
    %c0_i32_1 = arith.constant 0 : i32
    return %c0_i32, %c0_i32_0 : i32, i32
  }
  func.func @transform_7(%arg0: i32) -> (i32, i32) {
    %c0_i32 = arith.constant 0 : i32
    %c0_i32_0 = arith.constant 0 : i32
    %c0_i32_1 = arith.constant 0 : i32
    return %c0_i32, %c0_i32_0 : i32, i32
  }
}

module attributes {stable_mosaic.version = 14 : i64} {
  func.func @_bn_body(%arg0: i32, %arg1: memref<1000x128xf32, #tpu.memory_space<vmem>>, %arg2: memref<1x128xf32, #tpu.memory_space<vmem>>, %arg3: memref<1x128xf32, #tpu.memory_space<vmem>>, %arg4: memref<1x128xf32, #tpu.memory_space<vmem>>, %arg5: memref<1x128xf32, #tpu.memory_space<vmem>>, %arg6: memref<1000x128xf32, #tpu.memory_space<vmem>>) attributes {dimension_semantics = [#tpu.dimension_semantics<arbitrary>], iteration_bounds = array<i64: 10>, scalar_prefetch = 0 : i64, scratch_operands = 0 : i64, tpu.core_type = #tpu.core_type<tc>, window_params = [{transform_indices = @transform_0, window_bounds = array<i64: 1000, 128>}, {pipeline_mode = #tpu.pipeline_mode<synchronous>, transform_indices = @transform_1, window_bounds = array<i64: 1, 128>}, {pipeline_mode = #tpu.pipeline_mode<synchronous>, transform_indices = @transform_2, window_bounds = array<i64: 1, 128>}, {pipeline_mode = #tpu.pipeline_mode<synchronous>, transform_indices = @transform_3, window_bounds = array<i64: 1, 128>}, {pipeline_mode = #tpu.pipeline_mode<synchronous>, transform_indices = @transform_4, window_bounds = array<i64: 1, 128>}, {transform_indices = @transform_5, window_bounds = array<i64: 1000, 128>}]} {
    %get3A = arith.constant 0 : index
    %get3A_0 = arith.constant 0 : index
    %get3A_1 = vector.load %arg2[%get3A, %get3A_0] : memref<1x128xf32, #tpu.memory_space<vmem>>, vector<1x128xf32>
    %mul3A = arith.constant 9.99999974E-5 : f32
    %mul3A_2 = vector.broadcast %mul3A : f32 to vector<1x128xf32>
    %mul3A_3 = arith.mulf %get3A_1, %mul3A_2 : vector<1x128xf32>
    %get3A_4 = arith.constant 0 : index
    %get3A_5 = arith.constant 0 : index
    %get3A_6 = vector.load %arg3[%get3A_4, %get3A_5] : memref<1x128xf32, #tpu.memory_space<vmem>>, vector<1x128xf32>
    %mul3A_7 = arith.constant 9.99999974E-5 : f32
    %mul3A_8 = vector.broadcast %mul3A_7 : f32 to vector<1x128xf32>
    %mul3A_9 = arith.mulf %get3A_6, %mul3A_8 : vector<1x128xf32>
    %mul3A_10 = arith.mulf %mul3A_3, %mul3A_3 : vector<1x128xf32>
    %sub3A = arith.subf %mul3A_9, %mul3A_10 : vector<1x128xf32>
    %add3A = arith.constant 9.99999974E-6 : f32
    %add3A_11 = vector.broadcast %add3A : f32 to vector<1x128xf32>
    %add3A_12 = arith.addf %sub3A, %add3A_11 : vector<1x128xf32>
    %rsqrt3A = math.rsqrt %add3A_12 : vector<1x128xf32>
    %get3A_13 = arith.constant 0 : index
    %get3A_14 = arith.constant 0 : index
    %get3A_15 = vector.load %arg1[%get3A_13, %get3A_14] : memref<1000x128xf32, #tpu.memory_space<vmem>>, vector<1000x128xf32>
    %sub3A_16 = vector.broadcast %mul3A_3 : vector<1x128xf32> to vector<1000x128xf32>
    %sub3A_17 = arith.subf %get3A_15, %sub3A_16 : vector<1000x128xf32>
    %mul3A_18 = vector.broadcast %rsqrt3A : vector<1x128xf32> to vector<1000x128xf32>
    %mul3A_19 = arith.mulf %sub3A_17, %mul3A_18 : vector<1000x128xf32>
    %get3A_20 = arith.constant 0 : index
    %get3A_21 = arith.constant 0 : index
    %get3A_22 = vector.load %arg4[%get3A_20, %get3A_21] : memref<1x128xf32, #tpu.memory_space<vmem>>, vector<1x128xf32>
    %mul3A_23 = vector.broadcast %get3A_22 : vector<1x128xf32> to vector<1000x128xf32>
    %mul3A_24 = arith.mulf %mul3A_19, %mul3A_23 : vector<1000x128xf32>
    %get3A_25 = arith.constant 0 : index
    %get3A_26 = arith.constant 0 : index
    %get3A_27 = vector.load %arg5[%get3A_25, %get3A_26] : memref<1x128xf32, #tpu.memory_space<vmem>>, vector<1x128xf32>
    %add3A_28 = vector.broadcast %get3A_27 : vector<1x128xf32> to vector<1000x128xf32>
    %add3A_29 = arith.addf %mul3A_24, %add3A_28 : vector<1000x128xf32>
    %mul3A_30 = arith.constant 5.000000e-01 : f32
    %mul3A_31 = vector.broadcast %mul3A_30 : f32 to vector<1000x128xf32>
    %mul3A_32 = arith.mulf %mul3A_31, %add3A_29 : vector<1000x128xf32>
    %mul3A_33 = arith.constant 0.707106769 : f32
    %mul3A_34 = vector.broadcast %mul3A_33 : f32 to vector<1000x128xf32>
    %mul3A_35 = arith.mulf %add3A_29, %mul3A_34 : vector<1000x128xf32>
    %erf3A = math.erf %mul3A_35 : vector<1000x128xf32>
    %add3A_36 = arith.constant 1.000000e+00 : f32
    %add3A_37 = vector.broadcast %add3A_36 : f32 to vector<1000x128xf32>
    %add3A_38 = arith.addf %add3A_37, %erf3A : vector<1000x128xf32>
    %mul3A_39 = arith.mulf %mul3A_32, %add3A_38 : vector<1000x128xf32>
    %swap3A = arith.constant 0 : index
    %swap3A_40 = arith.constant 0 : index
    %swap3A_41 = vector.load %arg6[%swap3A, %swap3A_40] : memref<1000x128xf32, #tpu.memory_space<vmem>>, vector<1000x128xf32>
    tpu.vector_store %arg6[%swap3A, %swap3A_40], %mul3A_39 {strides = array<i32>} : memref<1000x128xf32, #tpu.memory_space<vmem>>, vector<1000x128xf32>,
    return
  }
  func.func @transform_0(%arg0: i32) -> (i32, i32) {
    %c0_i32 = arith.constant 0 : i32
    %c0_i32_0 = arith.constant 0 : i32
    return %arg0, %c0_i32 : i32, i32
  }
  func.func @transform_1(%arg0: i32) -> (i32, i32) {
    %c0_i32 = arith.constant 0 : i32
    %c0_i32_0 = arith.constant 0 : i32
    %c0_i32_1 = arith.constant 0 : i32
    return %c0_i32, %c0_i32_0 : i32, i32
  }
  func.func @transform_2(%arg0: i32) -> (i32, i32) {
    %c0_i32 = arith.constant 0 : i32
    %c0_i32_0 = arith.constant 0 : i32
    %c0_i32_1 = arith.constant 0 : i32
    return %c0_i32, %c0_i32_0 : i32, i32
  }
  func.func @transform_3(%arg0: i32) -> (i32, i32) {
    %c0_i32 = arith.constant 0 : i32
    %c0_i32_0 = arith.constant 0 : i32
    %c0_i32_1 = arith.constant 0 : i32
    return %c0_i32, %c0_i32_0 : i32, i32
  }
  func.func @transform_4(%arg0: i32) -> (i32, i32) {
    %c0_i32 = arith.constant 0 : i32
    %c0_i32_0 = arith.constant 0 : i32
    %c0_i32_1 = arith.constant 0 : i32
    return %c0_i32, %c0_i32_0 : i32, i32
  }
  func.func @transform_5(%arg0: i32) -> (i32, i32) {
    %c0_i32 = arith.constant 0 : i32
    %c0_i32_0 = arith.constant 0 : i32
    return %arg0, %c0_i32 : i32, i32
  }
}

</mosaic_0001>

<sc_bundles>
// kernel: kernel.6.cloned.1.call-start
scs
__scs_entry_jumppad:
0x0: {  	(pc) =	sbr.rel $0x88, $3  }
0x1: {  	(tag) =	ssettag $0x0;
	lr =	simm.s32 $0x1  }
0x2: {  	[smem:$0x3F98] =	sst lr;
	_ =	strace $0xD0000000  }
0x3: {  	_ = 	snop  }
0x4: {  	_ = 	snop  }
0x5: {  	_ = 	snop  }
0x6: {  	_ = 	snop  }
0x7: {  	_ = 	snop  }
__scs_overlays_trampoline_lowered:
0x8: {  	[smem:$0x3FA7] =	sst s0  }
0x9: {  	[smem:$0x3FA8] =	sst s1  }
0xa: {  	[smem:$0x3FA9] =	sst s2  }
0xb: {  	[smem:$0x3FAA] =	sst s3  }
0xc: {  	[smem:$0x3FAB] =	sst s4  }
0xd: {  	[smem:$0x3FAC] =	sst s5  }
0xe: {  	[smem:$0x3FAD] =	sst s6  }
0xf: {  	[smem:$0x3FAE] =	sst s7  }
0x10: {  	[smem:$0x3FAF] =	sst s8  }
0x11: {  	[smem:$0x3FB0] =	sst s9;
	s0 =	simm.s32 @!p0 $0x0  }
0x12: {  	s1 =	sld [smem:$0x3F96];
	s0 =	simm.s32 @p0 $0x1  }
0x13: {  	[smem:$0x3FB1] =	sst s0;
	s0 =	simm.s32 @!p1 $0x0  }
0x14: {  	s2 =	sld [smem:$0x3F95];
	s0 =	simm.s32 @p1 $0x1  }
0x15: {  	[smem:$0x3FB2] =	sst s0;
	s0 =	simm.s32 @!p2 $0x0  }
0x16: {  	s3 =	sld [smem:$0x3FDB];
	s0 =	simm.s32 @p2 $0x1  }
0x17: {  	s4 =	simm.s32 $0x1BF5;
	[smem:$0x3FB4] =	sst s0  }
0x18: {  	s0 =	sld [smem:$0x3F97];
	_ =	swait.ge [sflag:s4], $0x0  }
0x19: {  	s7 =	sld [smem:$0x3F98]  }
0x1a: {  	s8 =	sadd.s32 $0xFFFFE003, lr  }
0x1b: {  	s9 =	sadd.s32 $0xFFFFFEF7, lr;
	s5 =	simm.s32 $0xFFFFFFFF;
	p2 =	slt.u32 s8, $0xFFFFF086  }
0x1c: {  	p1 =	slt.u32 s9, $0xF7A;
	s5 =	simm.s32 @!p2 $0x0  }
0x1d: {  	s5 =	simm.s32 @p1 $0x1;
	p0 =	seq.s32 s7, s2  }
0x1e: {  	s7 =	smul.u32 @!p0 $0xF7A, s2;
	p2 =	seq.s32 @!p0 s5, $0x0  }
0x1f: {  	s9 =	smul.u32 $0xF7A, s1;
	s8 =	simm.s32 @!p0 $0x1BF5;
	p2 =	por !p2, p0  }
0x20: {  	[sflag:s8] =	ssyncset.s32 @!p0 $0xFFFFF086;
	s6 =	sadd.s32 @!p0 s3, s7;
	s7 =	simm.s32 @!p0 $0x108  }
0x21: {  	s3 =	sadd.s32 s3, s9;
	s6 =	sadd.s32 @!p0 $0x88, s6;
	s7 =	simm.s32 @p2 $0x1082  }
0x22: {  	[simem:s7], [sflag:s8] =	dma.local @!p0 [hbm:s6], $0xF7A  }
0x23: {  	s9 =	sor.u32 $0xD0000000, s2;
	s6 =	simm.s32 $0x108;
	_ =	swait.ge @!p0 [sflag:s8], $0x0  }
0x24: {  	s3 =	sadd.s32 $0x88, s3;
	s6 =	simm.s32 @!p1 $0x1082;
	[sflag:s4] =	ssyncset.s32 $0xFFFFF086  }
0x25: {  	[simem:s6], [sflag:s4] =	dma.local [hbm:s3], $0xF7A  }
0x26: {  	[smem:$0x3F98] =	sst s1;
	(tag) =	ssettag s2;
	_ =	strace s9  }
0x27: {  	s1 =	sld [smem:$0x3FA8]  }
0x28: {  	s2 =	sld [smem:$0x3FA9]  }
0x29: {  	s4 =	sld [smem:$0x3FAB]  }
0x2a: {  	p0 =	seq.s32 s5, $0x0;
	s5 =	sld [smem:$0x3FAC]  }
0x2b: {  	s6 =	sld [smem:$0x3FAD]  }
0x2c: {  	s7 =	sld [smem:$0x3FAE]  }
0x2d: {  	s3 =	simm.s32 $0x108;
	s8 =	sld [smem:$0x3FAF]  }
0x2e: {  	s3 =	simm.s32 @!p0 $0x1082;
	s9 =	sld [smem:$0x3FB0]  }
0x2f: {  	lr =	sadd.s32 s0, s3;
	s0 =	sld [smem:$0x3FA7]  }
0x30: {  	s3 =	sld [smem:$0x3FAA]  }
0x31: {  	[smem:$0x3FB3] =	sst s10  }
0x32: {  	s10 =	sld [smem:$0x3FB1];
	_ =	sdelay $0x3  }
0x33: {  	p0 =	seq.s32 s10, $0x1;
	s10 =	sld [smem:$0x3FB3];
	_ =	sdelay $0x3  }
0x34: {  	[smem:$0x3FB3] =	sst s10  }
0x35: {  	s10 =	sld [smem:$0x3FB2];
	_ =	sdelay $0x3  }
0x36: {  	p1 =	seq.s32 s10, $0x1;
	s10 =	sld [smem:$0x3FB3];
	_ =	sdelay $0x3  }
0x37: {  	[smem:$0x3FB3] =	sst s10  }
0x38: {  	s10 =	sld [smem:$0x3FB4]  }
0x39: {  	_ = 	snop;
	(pc) =	sbr.ind lr, $3  }
0x3a: {  	_ = 	snop  }
0x3b: {  	_ = 	snop  }
0x3c: {  	p2 =	seq.s32 s10, $0x1;
	s10 =	sld [smem:$0x3FB3]  }
0x3d: {  	_ =	shalt  }
0x3e: {  	_ =	shalt  }
0x3f: {  	_ =	shalt  }
0x40: {  	_ =	shalt  }
0x41: {  	_ =	shalt  }
0x42: {  	_ =	shalt  }
0x43: {  	_ =	shalt  }
0x44: {  	_ =	shalt  }
0x45: {  	_ =	shalt  }
0x46: {  	_ =	shalt  }
0x47: {  	_ =	shalt  }
0x48: {  	_ =	shalt  }
0x49: {  	_ =	shalt  }
0x4a: {  	_ =	shalt  }
0x4b: {  	_ =	shalt  }
0x4c: {  	_ =	shalt  }
0x4d: {  	_ =	shalt  }
0x4e: {  	_ =	shalt  }
0x4f: {  	_ =	shalt  }
0x50: {  	_ =	shalt  }
0x51: {  	_ =	shalt  }
0x52: {  	_ =	shalt  }
0x53: {  	_ =	shalt  }
0x54: {  	_ =	shalt  }
0x55: {  	_ =	shalt  }
0x56: {  	_ =	shalt  }
0x57: {  	_ =	shalt  }
0x58: {  	_ =	shalt  }
0x59: {  	_ =	shalt  }
0x5a: {  	_ =	shalt  }
0x5b: {  	_ =	shalt  }
0x5c: {  	_ =	shalt  }
0x5d: {  	_ =	shalt  }
0x5e: {  	_ =	shalt  }
0x5f: {  	_ =	shalt  }
0x60: {  	_ =	shalt  }
0x61: {  	_ =	shalt  }
0x62: {  	_ =	shalt  }
0x63: {  	_ =	shalt  }
0x64: {  	_ =	shalt  }
0x65: {  	_ =	shalt  }
0x66: {  	_ =	shalt  }
0x67: {  	_ =	shalt  }
0x68: {  	_ =	shalt  }
0x69: {  	_ =	shalt  }
0x6a: {  	_ =	shalt  }
0x6b: {  	_ =	shalt  }
0x6c: {  	_ =	shalt  }
0x6d: {  	_ =	shalt  }
0x6e: {  	_ =	shalt  }
0x6f: {  	_ =	shalt  }
0x70: {  	_ =	shalt  }
0x71: {  	_ =	shalt  }
0x72: {  	_ =	shalt  }
0x73: {  	_ =	shalt  }
0x74: {  	_ =	shalt  }
0x75: {  	_ =	shalt  }
0x76: {  	_ =	shalt  }
0x77: {  	_ =	shalt  }
0x78: {  	_ =	shalt  }
0x79: {  	_ =	shalt  }
0x7a: {  	_ =	shalt  }
0x7b: {  	_ =	shalt  }
0x7c: {  	_ =	shalt  }
0x7d: {  	_ =	shalt  }
0x7e: {  	_ =	shalt  }
0x7f: {  	_ =	shalt  }
0x80: {  	_ =	shalt  }
0x81: {  	_ =	shalt  }
0x82: {  	_ =	shalt  }
0x83: {  	_ =	shalt  }
0x84: {  	_ =	shalt  }
0x85: {  	_ =	shalt  }
0x86: {  	_ =	shalt  }
0x87: {  	_ =	shalt  }
.Lfunc_end0:
.L_simem_size_0:
called_computation_lowered:
.L_overlay_start_0:
0x88: {  	s2 =	sld [smem:$0x3FD9]  }
0x89: {  	s3 =	sld [smem:$0x3FFE];
	_ =	sdelay $0x1  }
0x8a: {  	s1 =	srdreg.scid  }
0x8b: {  	s0 =	sand.u32 $0x1, s1  }
0x8c: {  	s17 =	sshll.u32 s0, $0xA;
	s2 =	sadd.s32 s3, s2  }
0x8d: {  	s2 =	sadd.s32 s2, s17  }
0x8e: {  	[smem:$0x3FBF] =	sst s2  }
0x8f: {  	_ = 	snop  }
0x90: {  	s2 =	sld [smem:$0x3FD0];
	(tm) =	ssettm $0x1  }
0x91: {  	s18 =	sld [smem:$0x3FFB];
	_ =	sdelay $0x3  }
0x92: {  	_ =	strace s18  }
0x93: {  	s3 =	sld [smem:$0x3FFC];
	_ =	sdelay $0x3  }
0x94: {  	_ =	strace s3  }
0x95: {  	s3 =	sld [smem:$0x3FFD];
	_ =	sdelay $0x3  }
0x96: {  	_ =	strace s3  }
0x97: {  	_ =	strace $0x8FFFFFFF  }
0x98: {  	s19 =	sld [smem:$0x3FDB];
	_ =	sdelay $0x1  }
0x99: {  	s4 =	simm.s32 $_scs_section_size  }
0x9a: {  	s5 =	simm.s32 $_size__tile_overlayer_lowered;
	s6 =	simm.s32 $_tile_overlayer_lowered  }
0x9b: {  	s22 =	simm.s32 $0x1BFF;
	s21 =	sshll.u32 s6, $0x1;
	s3 =	sadd.s32 s4, s19  }
0x9c: {  	s7 =	simm.s32 $0x0;
	s20 =	sshll.u32 s5, $0x1;
	s5 =	sadd.s32 s21, s3  }
0x9d: {  	[timem:s7], [sflag:s22] =	dma.local [hbm:s5], s20  }
0x9e: {  	_ =	swait.ge [sflag:s22], s20  }
0x9f: {  	s4 =	ssub.s32 $0x0, s20;
	[sflag:s22] =	ssyncset.done $0x0  }
0xa0: {  	[sflag:s22] =	ssyncadd.s32 s4;
	_ =	sdelay $0x1  }
0xa1: {  	s23 =	simm.s32 $0x1B8B  }
0xa2: {  	_ =	swait.ge [sflag:s23], $0x1  }
0xa3: {  	[sflag:s23] =	ssyncset.done $0x0  }
0xa4: {  	s25 =	simm.s32 $0x1B8E;
	s24 =	sld [smem:$0x3FFE];
	[sflag:s23] =	ssyncadd.s32 $0xFFFFFFFF  }
0xa5: {  	s26 =	simm.s32 $execute0_lowered;
	[smem:$0x3FD2] =	sst s25  }
0xa6: {  	s5 =	sshll.u32 s26, $0x1;
	_ =	strace $0x80000046;
	[dreg:$0x1] =	wrdreg $0xFFFFFFFF  }
0xa7: {  	s28 =	simm.s32 $_size_execute0_lowered;
	s3 =	sadd.s32 s3, s5;
	[dreg:$0x0] =	wrdreg $0x0  }
0xa8: {  	s5 =	sshll.u32 s28, $0x1;
	[dreg:$0x2] =	wrdreg s3  }
0xa9: {  	[dreg:$0x3] =	wrdreg s5  }
0xaa: {  	[dreg:$0x4] =	wrdreg $0xC0  }
0xab: {  	_ =	task [dreg:s7], $0x5FFFF  }
0xac: {  	[dreg:$0x1] =	wrdreg $0xFFFFFFFF  }
0xad: {  	[dreg:$0x0] =	wrdreg $0x60  }
0xae: {  	[dreg:$0x2] =	wrdreg s24  }
0xaf: {  	[dreg:$0x3] =	wrdreg s2  }
0xb0: {  	[dreg:$0x4] =	wrdreg $0x0  }
0xb1: {  	[dreg:$0x5] =	wrdreg $0x140000  }
0xb2: {  	[dreg:$0x6] =	wrdreg $0x9  }
0xb3: {  	_ =	task.clear_ibuf [dreg:s7], $0x7FFFF;
	_ =	strace $0x90000046  }
0xb4: {  	s29 =	simm.s32 $0x9;
	_ =	strace $0x80000048  }
0xb5: {  	_ =	swait.ge [sflag:s29], $0x1  }
0xb6: {  	[sflag:s29] =	ssyncadd.s32 $0xFFFFFFFF  }
0xb7: {  	_ =	strace $0x90000048  }
0xb8: {  	_ =	sfence  }
0xb9: {  	s30 =	sld [smem:$0x0];
	_ =	sdelay $0x2  }
0xba: {  	s31 =	sshll.u32 s1, $0xD;
	s1 =	sshrl.u32 s1, $0x2  }
0xbb: {  	s3 =	sand.u32 $0x4000, s31;
	s1 =	sadd.s32 s1, s30  }
0xbc: {  	s0 =	sor.u32 s3, s0;
	s1 =	sshll.u32 s1, $0x11  }
0xbd: {  	s0 =	sor.u32 s1, s0  }
0xbe: {  	s0 =	sadd.s32 $0x8F2B, s0  }
0xbf: {  	[sflag:s0] =	ssyncadd.remote.s32 $0x1  }
0xc0: {  	_ =	sfence.sel $0xFFFF  }
0xc1: {  	[dreg:$0x0] =	wrdreg $0xFFFFFFFF;
	(pc) =	sbr.abs _section_cstart, $3  }
0xc2: {  	[dreg:$0x1] =	wrdreg $0xFFFFFFFF  }
0xc3: {  	_ =	task.clear_ibuf [dreg:s7], $0x2FFFF;
	_ =	strace $0x9FFFFFFF  }
0xc4: {  	(tm) =	ssettm $0x7FFFFFFF  }
0xc5: {  	_ =	shalt  }
tec
execute0_lowered:
.L_overlay_start_1:
0x0: {  	(tag) =	ssettag $0x1  }
0x1: {  	s8 =	rddreg [dreg:$0x0]  }
0x2: {  	s1 =	rddreg [dreg:$0x1]  }
0x3: {  	s2 =	rddreg [dreg:$0x2];
	s0 =	srdreg.scid  }
0x4: {  	s3 =	rddreg [dreg:$0x3];
	s4 =	stileid.u32  }
0x5: {  	s5 =	simm.s32 $0x0;
	s18 =	simm.s32 $0x14380;
	s10 =	smul.u32 $0x14000, s4  }
0x6: {  	s19 =	simm.s32 $0x1;
	s20 =	simm.s32 $0x14300;
	s12 =	smul.u32 $0x500, s4  }
0x7: {  	s21 =	simm.s32 $0x18380;
	s22 =	simm.s32 $0x20;
	s14 =	smul.u32 $0x50000, s4  }
0x8: {  	s23 =	simm.s32 $0x10;
	s24 =	simm.s32 $0x0;
	s28 =	smul.u32 $0xA00, s4  }
0x9: {  	s9 =	sand.u32 $0x1, s0;
	s0 =	rddreg [dreg:$0x4];
	s15 =	smul.u32 $0x9E0, s4  }
0xa: {  	[smem:$0x7FF] =	sst s5;
	s30 =	sshll.u32 s4, $0x6;
	s6 =	smul.u32 $0x9E00, s9  }
0xb: {  	s7 =	smul.u32 $0x140000, s9;
	s13 =	sshll.u32 s9, $0x7;
	s9 =	ssub.s32 $0x2, s9  }
0xc: {  	_ =	strace $0x80000047;
	s12 =	sor.u32 s13, s12;
	s26 =	sshrl.u32 s9, $0x1  }
0xd: {  	s29 =	sshrl.u32 s14, $0x2;
	s14 =	simm.s32 $0x2;
	s11 =	sadd.s32 s6, s8  }
0xe: {  	s6 =	sadd.s32 $0x15E00, s8;
	s10 =	sadd.s32 s10, s7;
	s7 =	sadd.s32 $0x15C00, s8  }
0xf: {  	s12 =	sshrl.u32 s12, $0x3;
	s13 =	ssub.s32 s9, s26;
	s16 =	sadd.s32 s29, s2  }
0x10: {  	s9 =	sshrl.u32 s28, $0x2;
	s10 =	sshrl.u32 s10, $0x3;
	s12 =	sadd.s32 s12, s8  }
0x11: {  	s17 =	sadd.s32 s9, s3;
	s31 =	sadd.s32 s15, s11;
	s11 =	smax.u32 s13, $0x1  }
0x12: {  	s13 =	sshrl.u32 s16, $0x3;
	s16 =	simm.s32 $0x14280;
	s10 =	sadd.s32 s10, s8  }
0x13: {  	s8 =	sor.u32 $0x1C02, s30;
	s15 =	sshrl.u32 s17, $0x3;
	s17 =	simm.s32 $0x80  }
0x14: {  	v0 =	vimm.f32 $1.000000000e+00;
	s9 =	sadd.s32 $0x19000, s10;
	s10 =	sadd.s32 $0x18600, s12;
	s12 =	sadd.s32 $0x2000, s31  }
.LBB2_1:
0x15: {  	[tilespmem:$0x18380] =	vst v0  }
0x16: {  	[tilespmem:$0x18390] =	vst v0  }
0x17: {  	[tilespmem:$0x183A0] =	vst v0  }
0x18: {  	[tilespmem:$0x183B0] =	vst v0  }
0x19: {  	[tilespmem:$0x183C0] =	vst v0  }
0x1a: {  	[tilespmem:$0x183D0] =	vst v0  }
0x1b: {  	[tilespmem:$0x183E0] =	vst v0  }
0x1c: {  	[tilespmem:$0x183F0] =	vst v0  }
0x1d: {  	[spmem:s13], [sflag:s8] =	dma.local [hbm:s6], $0x2800  }
0x1e: {  	_ =	swait.ge [sflag:s14], $0x2800  }
0x1f: {  	[sflag:s14] =	ssyncset.done $0x0  }
0x20: {  	[sflag:s14] =	ssyncadd.s32 $0xFFFFD800  }
0x21: {  	[spmem:s15], [sflag:s8] =	dma.local [hbm:s7], $0x50  }
0x22: {  	_ =	swait.ge [sflag:s14], $0x50  }
0x23: {  	[sflag:s14] =	ssyncset.done $0x0  }
0x24: {  	[sflag:s14] =	ssyncadd.s32 $0xFFFFFFB0  }
0x25: {  	s25 =	sadd.s32 $0x0, s12;
	[bflag:$0x0] =	sbarrier.arrive $0xFFFF  }
0x26: {  	[tilespmem:s16], [sflag:$0x2] =	stream.linear.gather [hbm4b:s25+s5], $0x100, $0x38;
	[tilespmem:$0x18400] =	vst v63  }
0x27: {  	_ =	swait.ge [sflag:s14], $0x100  }
0x28: {  	[sflag:s14] =	ssyncset.done $0x0  }
0x29: {  	[sflag:s14] =	ssyncadd.s32 $0xFFFFFF00  }
0x2a: {  	[tilespmem:s18], [sflag:$0x1] =	stream.indirect.gather [hbm4b:s1+s17], $0x80, s16, s17, $0xb8;
	[tilespmem:$0x18400] =	vst v63  }
0x2b: {  	_ =	swait.ge [sflag:s19], $0x4000  }
0x2c: {  	[sflag:s19] =	ssyncset.done $0x0  }
0x2d: {  	[sflag:s19] =	ssyncadd.s32 $0xFFFFC000  }
0x2e: {  	[spmem:s2] =	stream.indirect.scatter.add.f32 [tilespmem:s18], [sflag:$0x2], $0x80, s20, s17, $0xb8;
	[tilespmem:$0x18400] =	vst v63  }
0x2f: {  	_ =	swait.ge [sflag:s14], $0x4000  }
0x30: {  	[sflag:s14] =	ssyncset.done $0x0  }
0x31: {  	[sflag:s14] =	ssyncadd.s32 $0xFFFFC000  }
0x32: {  	[spmem:s3] =	stream.indirect.scatter.add.f32 [tilespmem:s21], [sflag:$0x2], $0x1, s20, s17, $0xb8;
	[tilespmem:$0x18400] =	vst v63  }
0x33: {  	_ =	swait.ge [sflag:s14], $0x80  }
0x34: {  	s26 =	simm.s32 $0x40;
	s25 =	simm.s32 $0x20;
	[sflag:s14] =	ssyncset.done $0x0  }
.LBB2_2:
0x35: {  	s28 =	sadd.s32 s25, s12  }
0x36: {  	[sflag:s14] =	ssyncadd.s32 $0xFFFFFF80;
	s25 =	smov.u32 s26;
	s29 =	sadd.s32 $0x20, s26  }
0x37: {  	[tilespmem:s16], [sflag:$0x2] =	stream.linear.gather [hbm4b:s28+s5], $0x100, $0x38;
	[tilespmem:$0x18400] =	vst v63  }
0x38: {  	p0 =	sne.s32 s26, $0x9C0;
	_ =	swait.ge [sflag:s14], $0x100  }
0x39: {  	[sflag:s14] =	ssyncset.done $0x0  }
0x3a: {  	[sflag:s14] =	ssyncadd.s32 $0xFFFFFF00  }
0x3b: {  	[tilespmem:s18], [sflag:$0x1] =	stream.indirect.gather [hbm4b:s1+s17], $0x80, s16, s17, $0xb8;
	[tilespmem:$0x18400] =	vst v63  }
0x3c: {  	_ =	swait.ge [sflag:s19], $0x4000  }
0x3d: {  	[sflag:s19] =	ssyncset.done $0x0  }
0x3e: {  	[sflag:s19] =	ssyncadd.s32 $0xFFFFC000  }
0x3f: {  	[spmem:s2] =	stream.indirect.scatter.add.f32 [tilespmem:s18], [sflag:$0x2], $0x80, s20, s17, $0xb8;
	[tilespmem:$0x18400] =	vst v63  }
0x40: {  	_ =	swait.ge [sflag:s14], $0x4000  }
.Ltmp0:
0x41: {  	[sflag:s14] =	ssyncset.done $0x0;
	(pc) =	sbr.rel @p0 .LBB2_2-.Ltmp0, $4  }
0x42: {  	[sflag:s14] =	ssyncadd.s32 $0xFFFFC000  }
0x43: {  	[spmem:s3] =	stream.indirect.scatter.add.f32 [tilespmem:s21], [sflag:$0x2], $0x1, s20, s17, $0xb8;
	[tilespmem:$0x18400] =	vst v63  }
0x44: {  	_ =	swait.ge [sflag:s14], $0x80  }
0x45: {  	s26 =	smov.u32 s29;
	[sflag:s14] =	ssyncset.done $0x0  }
0x46: {  	s25 =	sadd.s32 s25, s12;
	[sflag:s14] =	ssyncadd.s32 $0xFFFFFF80  }
0x47: {  	[tilespmem:s16], [sflag:$0x2] =	stream.linear.gather [hbm4b:s25+s5], $0x100, $0x38;
	[tilespmem:$0x18400] =	vst v63  }
0x48: {  	_ =	swait.ge [sflag:s14], $0x100  }
0x49: {  	[sflag:s14] =	ssyncset.done $0x0  }
0x4a: {  	[sflag:s14] =	ssyncadd.s32 $0xFFFFFF00  }
0x4b: {  	[tilespmem:s18], [sflag:$0x1] =	stream.indirect.gather [hbm4b:s1+s17], $0x80, s16, s17, $0xb8;
	[tilespmem:$0x18400] =	vst v63  }
0x4c: {  	_ =	swait.ge [sflag:s19], $0x4000  }
0x4d: {  	[sflag:s19] =	ssyncset.done $0x0  }
0x4e: {  	[sflag:s19] =	ssyncadd.s32 $0xFFFFC000  }
0x4f: {  	[spmem:s2] =	stream.indirect.scatter.add.f32 [tilespmem:s18], [sflag:$0x2], $0x80, s20, s17, $0xb8;
	[tilespmem:$0x18400] =	vst v63  }
0x50: {  	_ =	swait.ge [sflag:s14], $0x4000  }
0x51: {  	[sflag:s14] =	ssyncset.done $0x0  }
0x52: {  	[sflag:s14] =	ssyncadd.s32 $0xFFFFC000  }
0x53: {  	[spmem:s3] =	stream.indirect.scatter.add.f32 [tilespmem:s21], [sflag:$0x2], $0x1, s20, s17, $0xb8;
	[tilespmem:$0x18400] =	vst v63  }
0x54: {  	_ =	swait.ge [sflag:s14], $0x80  }
0x55: {  	[sflag:s14] =	ssyncset.done $0x0  }
0x56: {  	[sflag:s14] =	ssyncadd.s32 $0xFFFFFF80  }
0x57: {  	[bflag:$0x0] =	sbarrier.arrive $0xFFFF  }
0x58: {  	[hbm:s9], [sflag:s8] =	dma.local [spmem:s13], $0x2800  }
0x59: {  	s24 =	sadd.s32 $0x1, s24;
	_ =	swait.ge [sflag:s14], $0x2800  }
0x5a: {  	p0 =	sne.s32 s24, s11;
	[sflag:s14] =	ssyncset.done $0x0  }
.Ltmp1:
0x5b: {  	[sflag:s14] =	ssyncadd.s32 $0xFFFFD800;
	(pc) =	sbr.rel @p0 .LBB2_1-.Ltmp1, $4  }
0x5c: {  	[hbm:s10@s22], [sflag:s8] =	dma.strided [spmem:s15@s23], $0x50, s19, $0x10   }
0x5d: {  	_ =	swait.ge [sflag:s14], $0x50  }
0x5e: {  	[sflag:s14] =	ssyncset.done $0x0  }
0x5f: {  	[sflag:s14] =	ssyncadd.s32 $0xFFFFFFB0  }
0x60: {  	_ =	sfence.sel $0x180000  }
0x61: {  	[bflag:$0x0] =	sbarrier.arrive $0xFFFF  }
0x62: {  	p0 =	sne.s32 s4, $0x0;
	_ =	strace $0x90000047  }
0x63: {  	s0 =	sadd.s32 @!p0 $0x100000, s0;
	[bflag:$0x2] =	sbarrier.arrive $0xFFFF  }
0x64: {  	[sflag:s0] =	ssyncadd.tile.s32 @!p0 $0x1;
	_ =	shalt  }
.Lfunc_end2:
_tile_overlayer_lowered:
.L_overlay_start_2:
0x65: {  	(tag) =	ssettag $0x2  }
0x66: {  	s0 =	rddreg [dreg:$0x0];
	s2 =	stileid.u32  }
0x67: {  	s1 =	rddreg [dreg:$0x1];
	p0 =	sne.s32 s2, $0x0  }
0x68: {  	s3 =	rddreg [dreg:$0x2];
	[bflag:$0x3] =	sbarrier.arrive $0xFFFF;
	s2 =	simm.s32 @!p0 $0x1C02  }
0x69: {  	[timem:s3], [sflag:s2] =	dma.local @!p0 [hbm:s0], s1  }
0x6a: {  	s0 =	simm.s32 @!p0 $0x2  }
0x6b: {  	_ =	swait.ge @!p0 [sflag:s0], s1  }
0x6c: {  	s1 =	ssub.s32 @!p0 $0x0, s1;
	[sflag:s0] =	ssyncset.done @!p0 $0x0  }
0x6d: {  	[sflag:s0] =	ssyncadd.s32 @!p0 s1  }
0x6e: {  	[bflag:$0x3] =	sbarrier.arrive $0xFFFF  }
0x6f: {  	_ =	shalt  }

</sc_bundles>
